<compile_context>
chip_gen: v7x
topology: tpu7x:2x2x1
jax: 0.10.2.dev20260603
libtpu: 0.0.44.dev20260713+nightly
codegen_flags: <defaults>
</compile_context>

<pallas_src>
import functools

import jax
import jax.numpy as jnp
from jax import lax
from jax.experimental import pallas as pl
from jax.experimental.pallas import tpu as pltpu
from jax.experimental.pallas import tpu_sc as plsc

K_BUCKETS = 1000
EMBED_DIM = 128
BATCH = 16384

_NC = 2
_NS = 16
_NW = _NC * _NS
_B_PER_W = BATCH // _NW

_NB = 4
_NCHUNK = 8
_CHUNK = _B_PER_W // _NCHUNK

_STAGE = 64

_mesh = plsc.VectorSubcoreMesh(core_axis_name="c", subcore_axis_name="s")


@functools.partial(
    pl.kernel,
    mesh=_mesh,
    out_type=jax.ShapeDtypeStruct((BATCH, EMBED_DIM), jnp.float32),
    scratch_types=[
        pltpu.VMEM((_B_PER_W,), jnp.int32),
        pltpu.VMEM((_CHUNK, EMBED_DIM), jnp.float32),
        pltpu.VMEM((_CHUNK, EMBED_DIM), jnp.float32),
        pltpu.VMEM((_CHUNK, EMBED_DIM), jnp.float32),
        pltpu.VMEM((_CHUNK, EMBED_DIM), jnp.float32),
        pltpu.VMEM_SHARED((K_BUCKETS, EMBED_DIM), jnp.float32),
        pltpu.SemaphoreType.DMA,
        pltpu.SemaphoreType.DMA,
    ],
)
def _gather_kernel(ids_hbm, table_hbm, out_hbm, idx_v, b0, b1, b2, b3, tbl_sp,
                   gsem, ssem):
    cid = lax.axis_index("c")
    sid = lax.axis_index("s")
    wid = sid * _NC + cid
    base = wid * _B_PER_W
    bufs = (b0, b1, b2, b3)

    @pl.when(sid < _NS - 1)
    def _():
        row0 = sid * _STAGE
        pltpu.sync_copy(table_hbm.at[pl.ds(row0, _STAGE)],
                        tbl_sp.at[pl.ds(row0, _STAGE)])

    @pl.when(sid == _NS - 1)
    def _():
        last = (_NS - 1) * _STAGE
        pltpu.sync_copy(table_hbm.at[pl.ds(last, K_BUCKETS - last)],
                        tbl_sp.at[pl.ds(last, K_BUCKETS - last)])

    pltpu.sync_copy(ids_hbm.at[pl.ds(base, _B_PER_W)], idx_v)
    plsc.subcore_barrier()

    def start_gather(j):
        return pltpu.async_copy(
            tbl_sp.at[idx_v.at[pl.ds(j * _CHUNK, _CHUNK)]], bufs[j % _NB], gsem
        )

    def start_store(j):
        return pltpu.async_copy(
            bufs[j % _NB], out_hbm.at[pl.ds(base + j * _CHUNK, _CHUNK)], ssem
        )

    gathers = {0: start_gather(0)}
    stores = {}
    for k in range(_NCHUNK):
        gathers[k].wait()
        stores[k] = start_store(k)
        j = k + 1
        if j < _NCHUNK:
            if j - _NB >= 0:
                stores[j - _NB].wait()
            gathers[j] = start_gather(j)
    for k in range(_NCHUNK - _NB, _NCHUNK):
        stores[k].wait()


def kernel(ids, embed_weight):
    return _gather_kernel(ids.astype(jnp.int32), embed_weight)

# --- scband reference (transcript-rebuilt; emitter-appended) ---
"""Pipeline reference for scband-noise-bucketer-9242769621318 (READ-ONLY COPY).

The authoritative reference and input builder live on the scoring server;
editing this copy changes nothing except your own understanding.
"""

import jax, jax.numpy as jnp
import numpy as np

K_BUCKETS = 1000
EMBED_DIM = 128
BATCH = 16384

def setup_inputs(seed: int = 0) -> dict:
    key = jax.random.key(seed)
    k_ids, k_emb = jax.random.split(key)
    ids = jax.random.randint(k_ids, (BATCH,), 0, K_BUCKETS, dtype=jnp.int64) if jax.config.jax_enable_x64 else jax.random.randint(k_ids, (BATCH,), 0, K_BUCKETS, dtype=jnp.int32)
    embed_weight = jax.random.normal(k_emb, (K_BUCKETS, EMBED_DIM), dtype=jnp.float32)
    return {"ids": ids, "embed_weight": embed_weight}

def reference(ids, embed_weight):
    # NoiseBucketer.forward: return self.embed(ids)
    return jnp.take(embed_weight, ids, axis=0)

if __name__ == "__main__":
    import jax
    _d = setup_inputs()
    print(jax.jit(kernel)(*tuple(_d.values())))

</pallas_src>

<mosaic_0001>
#map = affine_map<(d0, d1) -> (0)>
#map1 = affine_map<(d0, d1) -> (0, 0)>
module attributes {stable_mosaic.version = 14 : i64} {
  func.func @_gather_kernel(%arg0: i32, %arg1: i32, %arg2: memref<16384xi32, #tpu.memory_space<hbm>>, %arg3: memref<1000x128xf32, #tpu.memory_space<hbm>>, %arg4: memref<16384x128xf32, #tpu.memory_space<hbm>>, %arg5: memref<512xi32, #tpu.memory_space<vmem>>, %arg6: memref<64x128xf32, #tpu.memory_space<vmem>>, %arg7: memref<64x128xf32, #tpu.memory_space<vmem>>, %arg8: memref<64x128xf32, #tpu.memory_space<vmem>>, %arg9: memref<64x128xf32, #tpu.memory_space<vmem>>, %arg10: memref<1000x128xf32, #tpu.memory_space<vmem_shared>>, %arg11: memref<!tpu.dma_semaphore, #tpu.memory_space<semaphore_mem>>, %arg12: memref<!tpu.dma_semaphore, #tpu.memory_space<semaphore_mem>>) attributes {dimension_semantics = [#tpu.dimension_semantics<core_parallel>, #tpu.dimension_semantics<subcore_parallel>], iteration_bounds = array<i64: 2, 16>, scalar_prefetch = 0 : i64, scratch_operands = 8 : i64, tpu.core_type = #tpu.core_type<sc_vector_subcore>, window_params = [{transform_indices = #map}, {transform_indices = #map1}, {transform_indices = #map1}]} {
    %mul3A = arith.constant 2 : i32
    %mul3A_0 = arith.muli %arg1, %mul3A : i32
    %add3A = arith.addi %mul3A_0, %arg0 : i32
    %mul3A_1 = arith.constant 512 : i32
    %mul3A_2 = arith.muli %add3A, %mul3A_1 : i32
    %lt3A = arith.constant 15 : i32
    %lt3A_3 = arith.cmpi slt, %arg1, %lt3A : i32
    %convert_element_type3A = arith.extui %lt3A_3 : i1 to i32
    %cond3A = arith.constant 0 : i32
    %cond3A_4 = arith.cmpi ne, %convert_element_type3A, %cond3A : i32
    scf.if %cond3A_4 {
      %mul3A_167 = arith.constant 64 : i32
      %mul3A_168 = arith.muli %arg1, %mul3A_167 : i32
      "tpu.region"() ({
        %run_scoped3A = tpu.sem_alloc : memref<!tpu.dma_semaphore, #tpu.memory_space<semaphore_mem>>
        %dma_start3A_169 = arith.constant 0 : i32
        %dma_start3A_170 = tpu.memref_slice %arg10[%mul3A_168, %dma_start3A_169] : memref<1000x128xf32, #tpu.memory_space<vmem_shared>> -> memref<64x128xf32, #tpu.memory_space<vmem_shared>>
        %dma_start3A_171 = arith.constant 0 : i32
        %dma_start3A_172 = tpu.memref_slice %arg3[%mul3A_168, %dma_start3A_171] : memref<1000x128xf32, #tpu.memory_space<hbm>> -> memref<64x128xf32, #tpu.memory_space<hbm>>
        tpu.enqueue_dma source(%dma_start3A_172 : memref<64x128xf32, #tpu.memory_space<hbm>>) target(%dma_start3A_170 : memref<64x128xf32, #tpu.memory_space<vmem_shared>>) target_semaphore(%run_scoped3A : memref<!tpu.dma_semaphore, #tpu.memory_space<semaphore_mem>>)
        %dma_wait3A_173 = arith.constant 0 : i32
        %dma_wait3A_174 = tpu.memref_slice %arg10[%mul3A_168, %dma_wait3A_173] : memref<1000x128xf32, #tpu.memory_space<vmem_shared>> -> memref<64x128xf32, #tpu.memory_space<vmem_shared>>
        %dma_wait3A_175 = arith.constant 0 : i32
        %dma_wait3A_176 = tpu.memref_slice %arg3[%mul3A_168, %dma_wait3A_175] : memref<1000x128xf32, #tpu.memory_space<hbm>> -> memref<64x128xf32, #tpu.memory_space<hbm>>
        tpu.wait_dma2 semaphore(%run_scoped3A : memref<!tpu.dma_semaphore, #tpu.memory_space<semaphore_mem>>) src(%dma_wait3A_176 : memref<64x128xf32, #tpu.memory_space<hbm>>) dst(%dma_wait3A_174 : memref<64x128xf32, #tpu.memory_space<vmem_shared>>)
        tpu.yield
      }) : () -> ()
    } else {
    }
    %eq3A = arith.constant 15 : i32
    %eq3A_5 = arith.cmpi eq, %arg1, %eq3A : i32
    %convert_element_type3A_6 = arith.extui %eq3A_5 : i1 to i32
    %cond3A_7 = arith.constant 0 : i32
    %cond3A_8 = arith.cmpi ne, %convert_element_type3A_6, %cond3A_7 : i32
    scf.if %cond3A_8 {
      "tpu.region"() ({
        %run_scoped3A = tpu.sem_alloc : memref<!tpu.dma_semaphore, #tpu.memory_space<semaphore_mem>>
        %dma_start3A_167 = arith.constant 960 : i32
        %dma_start3A_168 = arith.constant 0 : i32
        %dma_start3A_169 = tpu.memref_slice %arg10[%dma_start3A_167, %dma_start3A_168] : memref<1000x128xf32, #tpu.memory_space<vmem_shared>> -> memref<40x128xf32, #tpu.memory_space<vmem_shared>>
        %dma_start3A_170 = arith.constant 960 : i32
        %dma_start3A_171 = arith.constant 0 : i32
        %dma_start3A_172 = tpu.memref_slice %arg3[%dma_start3A_170, %dma_start3A_171] : memref<1000x128xf32, #tpu.memory_space<hbm>> -> memref<40x128xf32, #tpu.memory_space<hbm>>
        tpu.enqueue_dma source(%dma_start3A_172 : memref<40x128xf32, #tpu.memory_space<hbm>>) target(%dma_start3A_169 : memref<40x128xf32, #tpu.memory_space<vmem_shared>>) target_semaphore(%run_scoped3A : memref<!tpu.dma_semaphore, #tpu.memory_space<semaphore_mem>>)
        %dma_wait3A_173 = arith.constant 960 : i32
        %dma_wait3A_174 = arith.constant 0 : i32
        %dma_wait3A_175 = tpu.memref_slice %arg10[%dma_wait3A_173, %dma_wait3A_174] : memref<1000x128xf32, #tpu.memory_space<vmem_shared>> -> memref<40x128xf32, #tpu.memory_space<vmem_shared>>
        %dma_wait3A_176 = arith.constant 960 : i32
        %dma_wait3A_177 = arith.constant 0 : i32
        %dma_wait3A_178 = tpu.memref_slice %arg3[%dma_wait3A_176, %dma_wait3A_177] : memref<1000x128xf32, #tpu.memory_space<hbm>> -> memref<40x128xf32, #tpu.memory_space<hbm>>
        tpu.wait_dma2 semaphore(%run_scoped3A : memref<!tpu.dma_semaphore, #tpu.memory_space<semaphore_mem>>) src(%dma_wait3A_178 : memref<40x128xf32, #tpu.memory_space<hbm>>) dst(%dma_wait3A_175 : memref<40x128xf32, #tpu.memory_space<vmem_shared>>)
        tpu.yield
      }) : () -> ()
    } else {
    }
    "tpu.region"() ({
      %run_scoped3A = tpu.sem_alloc : memref<!tpu.dma_semaphore, #tpu.memory_space<semaphore_mem>>
      %dma_start3A_167 = tpu.memref_slice %arg2[%mul3A_2] : memref<16384xi32, #tpu.memory_space<hbm>> -> memref<512xi32, #tpu.memory_space<hbm>>
      %dma_start3A_168 = tpu.memref_slice %arg2[%mul3A_2] : memref<16384xi32, #tpu.memory_space<hbm>> -> memref<512xi32, #tpu.memory_space<hbm>>
      tpu.enqueue_dma source(%dma_start3A_168 : memref<512xi32, #tpu.memory_space<hbm>>) target(%arg5 : memref<512xi32, #tpu.memory_space<vmem>>) target_semaphore(%run_scoped3A : memref<!tpu.dma_semaphore, #tpu.memory_space<semaphore_mem>>)
      %dma_wait3A_169 = tpu.memref_slice %arg2[%mul3A_2] : memref<16384xi32, #tpu.memory_space<hbm>> -> memref<512xi32, #tpu.memory_space<hbm>>
      %dma_wait3A_170 = tpu.memref_slice %arg2[%mul3A_2] : memref<16384xi32, #tpu.memory_space<hbm>> -> memref<512xi32, #tpu.memory_space<hbm>>
      tpu.wait_dma2 semaphore(%run_scoped3A : memref<!tpu.dma_semaphore, #tpu.memory_space<semaphore_mem>>) src(%dma_wait3A_170 : memref<512xi32, #tpu.memory_space<hbm>>) dst(%arg5 : memref<512xi32, #tpu.memory_space<vmem>>)
      tpu.yield
    }) : () -> ()
    %barrier3A = arith.constant 0 : index
    tpu.barrier barrier_id(%barrier3A)
    %dma_start3A = arith.constant 0 : i32
    %dma_start3A_9 = tpu.memref_slice %arg5[%dma_start3A] : memref<512xi32, #tpu.memory_space<vmem>> -> memref<64xi32, #tpu.memory_space<vmem>>
    %dma_start3A_10 = arith.constant 0 : i32
    %dma_start3A_11 = arith.constant 0 : i32
    %dma_start3A_12 = tpu.memref_slice %arg10[%dma_start3A_10, %dma_start3A_11] : memref<1000x128xf32, #tpu.memory_space<vmem_shared>> -> memref<1000x128xf32, #tpu.memory_space<vmem_shared>>
    tpu.enqueue_indirect_dma source(%dma_start3A_12 : memref<1000x128xf32, #tpu.memory_space<vmem_shared>>) target(%arg6 : memref<64x128xf32, #tpu.memory_space<vmem>>) offsets(%dma_start3A_9 : memref<64xi32, #tpu.memory_space<vmem>>) semaphore(%arg11 : memref<!tpu.dma_semaphore, #tpu.memory_space<semaphore_mem>>)
    %dma_wait3A = arith.constant 0 : i32
    %dma_wait3A_13 = tpu.memref_slice %arg5[%dma_wait3A] : memref<512xi32, #tpu.memory_space<vmem>> -> memref<64xi32, #tpu.memory_space<vmem>>
    %dma_wait3A_14 = arith.constant 0 : i32
    %dma_wait3A_15 = arith.constant 0 : i32
    %dma_wait3A_16 = tpu.memref_slice %arg10[%dma_wait3A_14, %dma_wait3A_15] : memref<1000x128xf32, #tpu.memory_space<vmem_shared>> -> memref<1000x128xf32, #tpu.memory_space<vmem_shared>>
    tpu.wait_indirect_dma semaphore(%arg11 : memref<!tpu.dma_semaphore, #tpu.memory_space<semaphore_mem>>) src(%dma_wait3A_16 : memref<1000x128xf32, #tpu.memory_space<vmem_shared>>) dst(%arg6 : memref<64x128xf32, #tpu.memory_space<vmem>>)
    %add3A_17 = arith.constant 0 : i32
    %add3A_18 = arith.addi %mul3A_2, %add3A_17 : i32
    %dma_start3A_19 = arith.constant 0 : i32
    %dma_start3A_20 = tpu.memref_slice %arg4[%add3A_18, %dma_start3A_19] : memref<16384x128xf32, #tpu.memory_space<hbm>> -> memref<64x128xf32, #tpu.memory_space<hbm>>
    %dma_start3A_21 = arith.constant 0 : i32
    %dma_start3A_22 = tpu.memref_slice %arg4[%add3A_18, %dma_start3A_21] : memref<16384x128xf32, #tpu.memory_space<hbm>> -> memref<64x128xf32, #tpu.memory_space<hbm>>
    tpu.enqueue_dma source(%arg6 : memref<64x128xf32, #tpu.memory_space<vmem>>) target(%dma_start3A_22 : memref<64x128xf32, #tpu.memory_space<hbm>>) target_semaphore(%arg12 : memref<!tpu.dma_semaphore, #tpu.memory_space<semaphore_mem>>)
    %dma_start3A_23 = arith.constant 64 : i32
    %dma_start3A_24 = tpu.memref_slice %arg5[%dma_start3A_23] : memref<512xi32, #tpu.memory_space<vmem>> -> memref<64xi32, #tpu.memory_space<vmem>>
    %dma_start3A_25 = arith.constant 0 : i32
    %dma_start3A_26 = arith.constant 0 : i32
    %dma_start3A_27 = tpu.memref_slice %arg10[%dma_start3A_25, %dma_start3A_26] : memref<1000x128xf32, #tpu.memory_space<vmem_shared>> -> memref<1000x128xf32, #tpu.memory_space<vmem_shared>>
    tpu.enqueue_indirect_dma source(%dma_start3A_27 : memref<1000x128xf32, #tpu.memory_space<vmem_shared>>) target(%arg7 : memref<64x128xf32, #tpu.memory_space<vmem>>) offsets(%dma_start3A_24 : memref<64xi32, #tpu.memory_space<vmem>>) semaphore(%arg11 : memref<!tpu.dma_semaphore, #tpu.memory_space<semaphore_mem>>)
    %dma_wait3A_28 = arith.constant 64 : i32
    %dma_wait3A_29 = tpu.memref_slice %arg5[%dma_wait3A_28] : memref<512xi32, #tpu.memory_space<vmem>> -> memref<64xi32, #tpu.memory_space<vmem>>
    %dma_wait3A_30 = arith.constant 0 : i32
    %dma_wait3A_31 = arith.constant 0 : i32
    %dma_wait3A_32 = tpu.memref_slice %arg10[%dma_wait3A_30, %dma_wait3A_31] : memref<1000x128xf32, #tpu.memory_space<vmem_shared>> -> memref<1000x128xf32, #tpu.memory_space<vmem_shared>>
    tpu.wait_indirect_dma semaphore(%arg11 : memref<!tpu.dma_semaphore, #tpu.memory_space<semaphore_mem>>) src(%dma_wait3A_32 : memref<1000x128xf32, #tpu.memory_space<vmem_shared>>) dst(%arg7 : memref<64x128xf32, #tpu.memory_space<vmem>>)
    %add3A_33 = arith.constant 64 : i32
    %add3A_34 = arith.addi %mul3A_2, %add3A_33 : i32
    %dma_start3A_35 = arith.constant 0 : i32
    %dma_start3A_36 = tpu.memref_slice %arg4[%add3A_34, %dma_start3A_35] : memref<16384x128xf32, #tpu.memory_space<hbm>> -> memref<64x128xf32, #tpu.memory_space<hbm>>
    %dma_start3A_37 = arith.constant 0 : i32
    %dma_start3A_38 = tpu.memref_slice %arg4[%add3A_34, %dma_start3A_37] : memref<16384x128xf32, #tpu.memory_space<hbm>> -> memref<64x128xf32, #tpu.memory_space<hbm>>
    tpu.enqueue_dma source(%arg7 : memref<64x128xf32, #tpu.memory_space<vmem>>) target(%dma_start3A_38 : memref<64x128xf32, #tpu.memory_space<hbm>>) target_semaphore(%arg12 : memref<!tpu.dma_semaphore, #tpu.memory_space<semaphore_mem>>)
    %dma_start3A_39 = arith.constant 128 : i32
    %dma_start3A_40 = tpu.memref_slice %arg5[%dma_start3A_39] : memref<512xi32, #tpu.memory_space<vmem>> -> memref<64xi32, #tpu.memory_space<vmem>>
    %dma_start3A_41 = arith.constant 0 : i32
    %dma_start3A_42 = arith.constant 0 : i32
    %dma_start3A_43 = tpu.memref_slice %arg10[%dma_start3A_41, %dma_start3A_42] : memref<1000x128xf32, #tpu.memory_space<vmem_shared>> -> memref<1000x128xf32, #tpu.memory_space<vmem_shared>>
    tpu.enqueue_indirect_dma source(%dma_start3A_43 : memref<1000x128xf32, #tpu.memory_space<vmem_shared>>) target(%arg8 : memref<64x128xf32, #tpu.memory_space<vmem>>) offsets(%dma_start3A_40 : memref<64xi32, #tpu.memory_space<vmem>>) semaphore(%arg11 : memref<!tpu.dma_semaphore, #tpu.memory_space<semaphore_mem>>)
    %dma_wait3A_44 = arith.constant 128 : i32
    %dma_wait3A_45 = tpu.memref_slice %arg5[%dma_wait3A_44] : memref<512xi32, #tpu.memory_space<vmem>> -> memref<64xi32, #tpu.memory_space<vmem>>
    %dma_wait3A_46 = arith.constant 0 : i32
    %dma_wait3A_47 = arith.constant 0 : i32
    %dma_wait3A_48 = tpu.memref_slice %arg10[%dma_wait3A_46, %dma_wait3A_47] : memref<1000x128xf32, #tpu.memory_space<vmem_shared>> -> memref<1000x128xf32, #tpu.memory_space<vmem_shared>>
    tpu.wait_indirect_dma semaphore(%arg11 : memref<!tpu.dma_semaphore, #tpu.memory_space<semaphore_mem>>) src(%dma_wait3A_48 : memref<1000x128xf32, #tpu.memory_space<vmem_shared>>) dst(%arg8 : memref<64x128xf32, #tpu.memory_space<vmem>>)
    %add3A_49 = arith.constant 128 : i32
    %add3A_50 = arith.addi %mul3A_2, %add3A_49 : i32
    %dma_start3A_51 = arith.constant 0 : i32
    %dma_start3A_52 = tpu.memref_slice %arg4[%add3A_50, %dma_start3A_51] : memref<16384x128xf32, #tpu.memory_space<hbm>> -> memref<64x128xf32, #tpu.memory_space<hbm>>
    %dma_start3A_53 = arith.constant 0 : i32
    %dma_start3A_54 = tpu.memref_slice %arg4[%add3A_50, %dma_start3A_53] : memref<16384x128xf32, #tpu.memory_space<hbm>> -> memref<64x128xf32, #tpu.memory_space<hbm>>
    tpu.enqueue_dma source(%arg8 : memref<64x128xf32, #tpu.memory_space<vmem>>) target(%dma_start3A_54 : memref<64x128xf32, #tpu.memory_space<hbm>>) target_semaphore(%arg12 : memref<!tpu.dma_semaphore, #tpu.memory_space<semaphore_mem>>)
    %dma_start3A_55 = arith.constant 192 : i32
    %dma_start3A_56 = tpu.memref_slice %arg5[%dma_start3A_55] : memref<512xi32, #tpu.memory_space<vmem>> -> memref<64xi32, #tpu.memory_space<vmem>>
    %dma_start3A_57 = arith.constant 0 : i32
    %dma_start3A_58 = arith.constant 0 : i32
    %dma_start3A_59 = tpu.memref_slice %arg10[%dma_start3A_57, %dma_start3A_58] : memref<1000x128xf32, #tpu.memory_space<vmem_shared>> -> memref<1000x128xf32, #tpu.memory_space<vmem_shared>>
    tpu.enqueue_indirect_dma source(%dma_start3A_59 : memref<1000x128xf32, #tpu.memory_space<vmem_shared>>) target(%arg9 : memref<64x128xf32, #tpu.memory_space<vmem>>) offsets(%dma_start3A_56 : memref<64xi32, #tpu.memory_space<vmem>>) semaphore(%arg11 : memref<!tpu.dma_semaphore, #tpu.memory_space<semaphore_mem>>)
    %dma_wait3A_60 = arith.constant 192 : i32
    %dma_wait3A_61 = tpu.memref_slice %arg5[%dma_wait3A_60] : memref<512xi32, #tpu.memory_space<vmem>> -> memref<64xi32, #tpu.memory_space<vmem>>
    %dma_wait3A_62 = arith.constant 0 : i32
    %dma_wait3A_63 = arith.constant 0 : i32
    %dma_wait3A_64 = tpu.memref_slice %arg10[%dma_wait3A_62, %dma_wait3A_63] : memref<1000x128xf32, #tpu.memory_space<vmem_shared>> -> memref<1000x128xf32, #tpu.memory_space<vmem_shared>>
    tpu.wait_indirect_dma semaphore(%arg11 : memref<!tpu.dma_semaphore, #tpu.memory_space<semaphore_mem>>) src(%dma_wait3A_64 : memref<1000x128xf32, #tpu.memory_space<vmem_shared>>) dst(%arg9 : memref<64x128xf32, #tpu.memory_space<vmem>>)
    %add3A_65 = arith.constant 192 : i32
    %add3A_66 = arith.addi %mul3A_2, %add3A_65 : i32
    %dma_start3A_67 = arith.constant 0 : i32
    %dma_start3A_68 = tpu.memref_slice %arg4[%add3A_66, %dma_start3A_67] : memref<16384x128xf32, #tpu.memory_space<hbm>> -> memref<64x128xf32, #tpu.memory_space<hbm>>
    %dma_start3A_69 = arith.constant 0 : i32
    %dma_start3A_70 = tpu.memref_slice %arg4[%add3A_66, %dma_start3A_69] : memref<16384x128xf32, #tpu.memory_space<hbm>> -> memref<64x128xf32, #tpu.memory_space<hbm>>
    tpu.enqueue_dma source(%arg9 : memref<64x128xf32, #tpu.memory_space<vmem>>) target(%dma_start3A_70 : memref<64x128xf32, #tpu.memory_space<hbm>>) target_semaphore(%arg12 : memref<!tpu.dma_semaphore, #tpu.memory_space<semaphore_mem>>)
    %dma_wait3A_71 = arith.constant 0 : i32
    %dma_wait3A_72 = tpu.memref_slice %arg4[%add3A_18, %dma_wait3A_71] : memref<16384x128xf32, #tpu.memory_space<hbm>> -> memref<64x128xf32, #tpu.memory_space<hbm>>
    %dma_wait3A_73 = arith.constant 0 : i32
    %dma_wait3A_74 = tpu.memref_slice %arg4[%add3A_18, %dma_wait3A_73] : memref<16384x128xf32, #tpu.memory_space<hbm>> -> memref<64x128xf32, #tpu.memory_space<hbm>>
    tpu.wait_dma2 semaphore(%arg12 : memref<!tpu.dma_semaphore, #tpu.memory_space<semaphore_mem>>) src(%arg6 : memref<64x128xf32, #tpu.memory_space<vmem>>) dst(%dma_wait3A_74 : memref<64x128xf32, #tpu.memory_space<hbm>>)
    %dma_start3A_75 = arith.constant 256 : i32
    %dma_start3A_76 = tpu.memref_slice %arg5[%dma_start3A_75] : memref<512xi32, #tpu.memory_space<vmem>> -> memref<64xi32, #tpu.memory_space<vmem>>
    %dma_start3A_77 = arith.constant 0 : i32
    %dma_start3A_78 = arith.constant 0 : i32
    %dma_start3A_79 = tpu.memref_slice %arg10[%dma_start3A_77, %dma_start3A_78] : memref<1000x128xf32, #tpu.memory_space<vmem_shared>> -> memref<1000x128xf32, #tpu.memory_space<vmem_shared>>
    tpu.enqueue_indirect_dma source(%dma_start3A_79 : memref<1000x128xf32, #tpu.memory_space<vmem_shared>>) target(%arg6 : memref<64x128xf32, #tpu.memory_space<vmem>>) offsets(%dma_start3A_76 : memref<64xi32, #tpu.memory_space<vmem>>) semaphore(%arg11 : memref<!tpu.dma_semaphore, #tpu.memory_space<semaphore_mem>>)
    %dma_wait3A_80 = arith.constant 256 : i32
    %dma_wait3A_81 = tpu.memref_slice %arg5[%dma_wait3A_80] : memref<512xi32, #tpu.memory_space<vmem>> -> memref<64xi32, #tpu.memory_space<vmem>>
    %dma_wait3A_82 = arith.constant 0 : i32
    %dma_wait3A_83 = arith.constant 0 : i32
    %dma_wait3A_84 = tpu.memref_slice %arg10[%dma_wait3A_82, %dma_wait3A_83] : memref<1000x128xf32, #tpu.memory_space<vmem_shared>> -> memref<1000x128xf32, #tpu.memory_space<vmem_shared>>
    tpu.wait_indirect_dma semaphore(%arg11 : memref<!tpu.dma_semaphore, #tpu.memory_space<semaphore_mem>>) src(%dma_wait3A_84 : memref<1000x128xf32, #tpu.memory_space<vmem_shared>>) dst(%arg6 : memref<64x128xf32, #tpu.memory_space<vmem>>)
    %add3A_85 = arith.constant 256 : i32
    %add3A_86 = arith.addi %mul3A_2, %add3A_85 : i32
    %dma_start3A_87 = arith.constant 0 : i32
    %dma_start3A_88 = tpu.memref_slice %arg4[%add3A_86, %dma_start3A_87] : memref<16384x128xf32, #tpu.memory_space<hbm>> -> memref<64x128xf32, #tpu.memory_space<hbm>>
    %dma_start3A_89 = arith.constant 0 : i32
    %dma_start3A_90 = tpu.memref_slice %arg4[%add3A_86, %dma_start3A_89] : memref<16384x128xf32, #tpu.memory_space<hbm>> -> memref<64x128xf32, #tpu.memory_space<hbm>>
    tpu.enqueue_dma source(%arg6 : memref<64x128xf32, #tpu.memory_space<vmem>>) target(%dma_start3A_90 : memref<64x128xf32, #tpu.memory_space<hbm>>) target_semaphore(%arg12 : memref<!tpu.dma_semaphore, #tpu.memory_space<semaphore_mem>>)
    %dma_wait3A_91 = arith.constant 0 : i32
    %dma_wait3A_92 = tpu.memref_slice %arg4[%add3A_34, %dma_wait3A_91] : memref<16384x128xf32, #tpu.memory_space<hbm>> -> memref<64x128xf32, #tpu.memory_space<hbm>>
    %dma_wait3A_93 = arith.constant 0 : i32
    %dma_wait3A_94 = tpu.memref_slice %arg4[%add3A_34, %dma_wait3A_93] : memref<16384x128xf32, #tpu.memory_space<hbm>> -> memref<64x128xf32, #tpu.memory_space<hbm>>
    tpu.wait_dma2 semaphore(%arg12 : memref<!tpu.dma_semaphore, #tpu.memory_space<semaphore_mem>>) src(%arg7 : memref<64x128xf32, #tpu.memory_space<vmem>>) dst(%dma_wait3A_94 : memref<64x128xf32, #tpu.memory_space<hbm>>)
    %dma_start3A_95 = arith.constant 320 : i32
    %dma_start3A_96 = tpu.memref_slice %arg5[%dma_start3A_95] : memref<512xi32, #tpu.memory_space<vmem>> -> memref<64xi32, #tpu.memory_space<vmem>>
    %dma_start3A_97 = arith.constant 0 : i32
    %dma_start3A_98 = arith.constant 0 : i32
    %dma_start3A_99 = tpu.memref_slice %arg10[%dma_start3A_97, %dma_start3A_98] : memref<1000x128xf32, #tpu.memory_space<vmem_shared>> -> memref<1000x128xf32, #tpu.memory_space<vmem_shared>>
    tpu.enqueue_indirect_dma source(%dma_start3A_99 : memref<1000x128xf32, #tpu.memory_space<vmem_shared>>) target(%arg7 : memref<64x128xf32, #tpu.memory_space<vmem>>) offsets(%dma_start3A_96 : memref<64xi32, #tpu.memory_space<vmem>>) semaphore(%arg11 : memref<!tpu.dma_semaphore, #tpu.memory_space<semaphore_mem>>)
    %dma_wait3A_100 = arith.constant 320 : i32
    %dma_wait3A_101 = tpu.memref_slice %arg5[%dma_wait3A_100] : memref<512xi32, #tpu.memory_space<vmem>> -> memref<64xi32, #tpu.memory_space<vmem>>
    %dma_wait3A_102 = arith.constant 0 : i32
    %dma_wait3A_103 = arith.constant 0 : i32
    %dma_wait3A_104 = tpu.memref_slice %arg10[%dma_wait3A_102, %dma_wait3A_103] : memref<1000x128xf32, #tpu.memory_space<vmem_shared>> -> memref<1000x128xf32, #tpu.memory_space<vmem_shared>>
    tpu.wait_indirect_dma semaphore(%arg11 : memref<!tpu.dma_semaphore, #tpu.memory_space<semaphore_mem>>) src(%dma_wait3A_104 : memref<1000x128xf32, #tpu.memory_space<vmem_shared>>) dst(%arg7 : memref<64x128xf32, #tpu.memory_space<vmem>>)
    %add3A_105 = arith.constant 320 : i32
    %add3A_106 = arith.addi %mul3A_2, %add3A_105 : i32
    %dma_start3A_107 = arith.constant 0 : i32
    %dma_start3A_108 = tpu.memref_slice %arg4[%add3A_106, %dma_start3A_107] : memref<16384x128xf32, #tpu.memory_space<hbm>> -> memref<64x128xf32, #tpu.memory_space<hbm>>
    %dma_start3A_109 = arith.constant 0 : i32
    %dma_start3A_110 = tpu.memref_slice %arg4[%add3A_106, %dma_start3A_109] : memref<16384x128xf32, #tpu.memory_space<hbm>> -> memref<64x128xf32, #tpu.memory_space<hbm>>
    tpu.enqueue_dma source(%arg7 : memref<64x128xf32, #tpu.memory_space<vmem>>) target(%dma_start3A_110 : memref<64x128xf32, #tpu.memory_space<hbm>>) target_semaphore(%arg12 : memref<!tpu.dma_semaphore, #tpu.memory_space<semaphore_mem>>)
    %dma_wait3A_111 = arith.constant 0 : i32
    %dma_wait3A_112 = tpu.memref_slice %arg4[%add3A_50, %dma_wait3A_111] : memref<16384x128xf32, #tpu.memory_space<hbm>> -> memref<64x128xf32, #tpu.memory_space<hbm>>
    %dma_wait3A_113 = arith.constant 0 : i32
    %dma_wait3A_114 = tpu.memref_slice %arg4[%add3A_50, %dma_wait3A_113] : memref<16384x128xf32, #tpu.memory_space<hbm>> -> memref<64x128xf32, #tpu.memory_space<hbm>>
    tpu.wait_dma2 semaphore(%arg12 : memref<!tpu.dma_semaphore, #tpu.memory_space<semaphore_mem>>) src(%arg8 : memref<64x128xf32, #tpu.memory_space<vmem>>) dst(%dma_wait3A_114 : memref<64x128xf32, #tpu.memory_space<hbm>>)
    %dma_start3A_115 = arith.constant 384 : i32
    %dma_start3A_116 = tpu.memref_slice %arg5[%dma_start3A_115] : memref<512xi32, #tpu.memory_space<vmem>> -> memref<64xi32, #tpu.memory_space<vmem>>
    %dma_start3A_117 = arith.constant 0 : i32
    %dma_start3A_118 = arith.constant 0 : i32
    %dma_start3A_119 = tpu.memref_slice %arg10[%dma_start3A_117, %dma_start3A_118] : memref<1000x128xf32, #tpu.memory_space<vmem_shared>> -> memref<1000x128xf32, #tpu.memory_space<vmem_shared>>
    tpu.enqueue_indirect_dma source(%dma_start3A_119 : memref<1000x128xf32, #tpu.memory_space<vmem_shared>>) target(%arg8 : memref<64x128xf32, #tpu.memory_space<vmem>>) offsets(%dma_start3A_116 : memref<64xi32, #tpu.memory_space<vmem>>) semaphore(%arg11 : memref<!tpu.dma_semaphore, #tpu.memory_space<semaphore_mem>>)
    %dma_wait3A_120 = arith.constant 384 : i32
    %dma_wait3A_121 = tpu.memref_slice %arg5[%dma_wait3A_120] : memref<512xi32, #tpu.memory_space<vmem>> -> memref<64xi32, #tpu.memory_space<vmem>>
    %dma_wait3A_122 = arith.constant 0 : i32
    %dma_wait3A_123 = arith.constant 0 : i32
    %dma_wait3A_124 = tpu.memref_slice %arg10[%dma_wait3A_122, %dma_wait3A_123] : memref<1000x128xf32, #tpu.memory_space<vmem_shared>> -> memref<1000x128xf32, #tpu.memory_space<vmem_shared>>
    tpu.wait_indirect_dma semaphore(%arg11 : memref<!tpu.dma_semaphore, #tpu.memory_space<semaphore_mem>>) src(%dma_wait3A_124 : memref<1000x128xf32, #tpu.memory_space<vmem_shared>>) dst(%arg8 : memref<64x128xf32, #tpu.memory_space<vmem>>)
    %add3A_125 = arith.constant 384 : i32
    %add3A_126 = arith.addi %mul3A_2, %add3A_125 : i32
    %dma_start3A_127 = arith.constant 0 : i32
    %dma_start3A_128 = tpu.memref_slice %arg4[%add3A_126, %dma_start3A_127] : memref<16384x128xf32, #tpu.memory_space<hbm>> -> memref<64x128xf32, #tpu.memory_space<hbm>>
    %dma_start3A_129 = arith.constant 0 : i32
    %dma_start3A_130 = tpu.memref_slice %arg4[%add3A_126, %dma_start3A_129] : memref<16384x128xf32, #tpu.memory_space<hbm>> -> memref<64x128xf32, #tpu.memory_space<hbm>>
    tpu.enqueue_dma source(%arg8 : memref<64x128xf32, #tpu.memory_space<vmem>>) target(%dma_start3A_130 : memref<64x128xf32, #tpu.memory_space<hbm>>) target_semaphore(%arg12 : memref<!tpu.dma_semaphore, #tpu.memory_space<semaphore_mem>>)
    %dma_wait3A_131 = arith.constant 0 : i32
    %dma_wait3A_132 = tpu.memref_slice %arg4[%add3A_66, %dma_wait3A_131] : memref<16384x128xf32, #tpu.memory_space<hbm>> -> memref<64x128xf32, #tpu.memory_space<hbm>>
    %dma_wait3A_133 = arith.constant 0 : i32
    %dma_wait3A_134 = tpu.memref_slice %arg4[%add3A_66, %dma_wait3A_133] : memref<16384x128xf32, #tpu.memory_space<hbm>> -> memref<64x128xf32, #tpu.memory_space<hbm>>
    tpu.wait_dma2 semaphore(%arg12 : memref<!tpu.dma_semaphore, #tpu.memory_space<semaphore_mem>>) src(%arg9 : memref<64x128xf32, #tpu.memory_space<vmem>>) dst(%dma_wait3A_134 : memref<64x128xf32, #tpu.memory_space<hbm>>)
    %dma_start3A_135 = arith.constant 448 : i32
    %dma_start3A_136 = tpu.memref_slice %arg5[%dma_start3A_135] : memref<512xi32, #tpu.memory_space<vmem>> -> memref<64xi32, #tpu.memory_space<vmem>>
    %dma_start3A_137 = arith.constant 0 : i32
    %dma_start3A_138 = arith.constant 0 : i32
    %dma_start3A_139 = tpu.memref_slice %arg10[%dma_start3A_137, %dma_start3A_138] : memref<1000x128xf32, #tpu.memory_space<vmem_shared>> -> memref<1000x128xf32, #tpu.memory_space<vmem_shared>>
    tpu.enqueue_indirect_dma source(%dma_start3A_139 : memref<1000x128xf32, #tpu.memory_space<vmem_shared>>) target(%arg9 : memref<64x128xf32, #tpu.memory_space<vmem>>) offsets(%dma_start3A_136 : memref<64xi32, #tpu.memory_space<vmem>>) semaphore(%arg11 : memref<!tpu.dma_semaphore, #tpu.memory_space<semaphore_mem>>)
    %dma_wait3A_140 = arith.constant 448 : i32
    %dma_wait3A_141 = tpu.memref_slice %arg5[%dma_wait3A_140] : memref<512xi32, #tpu.memory_space<vmem>> -> memref<64xi32, #tpu.memory_space<vmem>>
    %dma_wait3A_142 = arith.constant 0 : i32
    %dma_wait3A_143 = arith.constant 0 : i32
    %dma_wait3A_144 = tpu.memref_slice %arg10[%dma_wait3A_142, %dma_wait3A_143] : memref<1000x128xf32, #tpu.memory_space<vmem_shared>> -> memref<1000x128xf32, #tpu.memory_space<vmem_shared>>
    tpu.wait_indirect_dma semaphore(%arg11 : memref<!tpu.dma_semaphore, #tpu.memory_space<semaphore_mem>>) src(%dma_wait3A_144 : memref<1000x128xf32, #tpu.memory_space<vmem_shared>>) dst(%arg9 : memref<64x128xf32, #tpu.memory_space<vmem>>)
    %add3A_145 = arith.constant 448 : i32
    %add3A_146 = arith.addi %mul3A_2, %add3A_145 : i32
    %dma_start3A_147 = arith.constant 0 : i32
    %dma_start3A_148 = tpu.memref_slice %arg4[%add3A_146, %dma_start3A_147] : memref<16384x128xf32, #tpu.memory_space<hbm>> -> memref<64x128xf32, #tpu.memory_space<hbm>>
    %dma_start3A_149 = arith.constant 0 : i32
    %dma_start3A_150 = tpu.memref_slice %arg4[%add3A_146, %dma_start3A_149] : memref<16384x128xf32, #tpu.memory_space<hbm>> -> memref<64x128xf32, #tpu.memory_space<hbm>>
    tpu.enqueue_dma source(%arg9 : memref<64x128xf32, #tpu.memory_space<vmem>>) target(%dma_start3A_150 : memref<64x128xf32, #tpu.memory_space<hbm>>) target_semaphore(%arg12 : memref<!tpu.dma_semaphore, #tpu.memory_space<semaphore_mem>>)
    %dma_wait3A_151 = arith.constant 0 : i32
    %dma_wait3A_152 = tpu.memref_slice %arg4[%add3A_86, %dma_wait3A_151] : memref<16384x128xf32, #tpu.memory_space<hbm>> -> memref<64x128xf32, #tpu.memory_space<hbm>>
    %dma_wait3A_153 = arith.constant 0 : i32
    %dma_wait3A_154 = tpu.memref_slice %arg4[%add3A_86, %dma_wait3A_153] : memref<16384x128xf32, #tpu.memory_space<hbm>> -> memref<64x128xf32, #tpu.memory_space<hbm>>
    tpu.wait_dma2 semaphore(%arg12 : memref<!tpu.dma_semaphore, #tpu.memory_space<semaphore_mem>>) src(%arg6 : memref<64x128xf32, #tpu.memory_space<vmem>>) dst(%dma_wait3A_154 : memref<64x128xf32, #tpu.memory_space<hbm>>)
    %dma_wait3A_155 = arith.constant 0 : i32
    %dma_wait3A_156 = tpu.memref_slice %arg4[%add3A_106, %dma_wait3A_155] : memref<16384x128xf32, #tpu.memory_space<hbm>> -> memref<64x128xf32, #tpu.memory_space<hbm>>
    %dma_wait3A_157 = arith.constant 0 : i32
    %dma_wait3A_158 = tpu.memref_slice %arg4[%add3A_106, %dma_wait3A_157] : memref<16384x128xf32, #tpu.memory_space<hbm>> -> memref<64x128xf32, #tpu.memory_space<hbm>>
    tpu.wait_dma2 semaphore(%arg12 : memref<!tpu.dma_semaphore, #tpu.memory_space<semaphore_mem>>) src(%arg7 : memref<64x128xf32, #tpu.memory_space<vmem>>) dst(%dma_wait3A_158 : memref<64x128xf32, #tpu.memory_space<hbm>>)
    %dma_wait3A_159 = arith.constant 0 : i32
    %dma_wait3A_160 = tpu.memref_slice %arg4[%add3A_126, %dma_wait3A_159] : memref<16384x128xf32, #tpu.memory_space<hbm>> -> memref<64x128xf32, #tpu.memory_space<hbm>>
    %dma_wait3A_161 = arith.constant 0 : i32
    %dma_wait3A_162 = tpu.memref_slice %arg4[%add3A_126, %dma_wait3A_161] : memref<16384x128xf32, #tpu.memory_space<hbm>> -> memref<64x128xf32, #tpu.memory_space<hbm>>
    tpu.wait_dma2 semaphore(%arg12 : memref<!tpu.dma_semaphore, #tpu.memory_space<semaphore_mem>>) src(%arg8 : memref<64x128xf32, #tpu.memory_space<vmem>>) dst(%dma_wait3A_162 : memref<64x128xf32, #tpu.memory_space<hbm>>)
    %dma_wait3A_163 = arith.constant 0 : i32
    %dma_wait3A_164 = tpu.memref_slice %arg4[%add3A_146, %dma_wait3A_163] : memref<16384x128xf32, #tpu.memory_space<hbm>> -> memref<64x128xf32, #tpu.memory_space<hbm>>
    %dma_wait3A_165 = arith.constant 0 : i32
    %dma_wait3A_166 = tpu.memref_slice %arg4[%add3A_146, %dma_wait3A_165] : memref<16384x128xf32, #tpu.memory_space<hbm>> -> memref<64x128xf32, #tpu.memory_space<hbm>>
    tpu.wait_dma2 semaphore(%arg12 : memref<!tpu.dma_semaphore, #tpu.memory_space<semaphore_mem>>) src(%arg9 : memref<64x128xf32, #tpu.memory_space<vmem>>) dst(%dma_wait3A_166 : memref<64x128xf32, #tpu.memory_space<hbm>>)
    return
  }
}

</mosaic_0001>

<sc_bundles>
// kernel: kernel.3.cloned.1.call-start
scs
__scs_entry_jumppad:
0x0: {  	(pc) =	sbr.rel $0x88, $3  }
0x1: {  	(tag) =	ssettag $0x0;
	lr =	simm.s32 $0x1  }
0x2: {  	[smem:$0x3F9F] =	sst lr;
	_ =	strace $0xD0000000  }
0x3: {  	_ = 	snop  }
0x4: {  	_ = 	snop  }
0x5: {  	_ = 	snop  }
0x6: {  	_ = 	snop  }
0x7: {  	_ = 	snop  }
__scs_overlays_trampoline_lowered:
0x8: {  	[smem:$0x3FAE] =	sst s0  }
0x9: {  	[smem:$0x3FAF] =	sst s1  }
0xa: {  	[smem:$0x3FB0] =	sst s2  }
0xb: {  	[smem:$0x3FB1] =	sst s3  }
0xc: {  	[smem:$0x3FB2] =	sst s4  }
0xd: {  	[smem:$0x3FB3] =	sst s5  }
0xe: {  	[smem:$0x3FB4] =	sst s6  }
0xf: {  	[smem:$0x3FB5] =	sst s7  }
0x10: {  	[smem:$0x3FB6] =	sst s8  }
0x11: {  	[smem:$0x3FB7] =	sst s9;
	s0 =	simm.s32 @!p0 $0x0  }
0x12: {  	s1 =	sld [smem:$0x3F9D];
	s0 =	simm.s32 @p0 $0x1  }
0x13: {  	[smem:$0x3FB8] =	sst s0;
	s0 =	simm.s32 @!p1 $0x0  }
0x14: {  	s2 =	sld [smem:$0x3F9C];
	s0 =	simm.s32 @p1 $0x1  }
0x15: {  	[smem:$0x3FB9] =	sst s0;
	s0 =	simm.s32 @!p2 $0x0  }
0x16: {  	s3 =	sld [smem:$0x3FDB];
	s0 =	simm.s32 @p2 $0x1  }
0x17: {  	s4 =	simm.s32 $0x1BF5;
	[smem:$0x3FBB] =	sst s0  }
0x18: {  	s0 =	sld [smem:$0x3F9E];
	_ =	swait.ge [sflag:s4], $0x0  }
0x19: {  	s7 =	sld [smem:$0x3F9F]  }
0x1a: {  	s8 =	sadd.s32 $0xFFFFE003, lr  }
0x1b: {  	s9 =	sadd.s32 $0xFFFFFEF7, lr;
	s5 =	simm.s32 $0xFFFFFFFF;
	p2 =	slt.u32 s8, $0xFFFFF086  }
0x1c: {  	p1 =	slt.u32 s9, $0xF7A;
	s5 =	simm.s32 @!p2 $0x0  }
0x1d: {  	s5 =	simm.s32 @p1 $0x1;
	p0 =	seq.s32 s7, s2  }
0x1e: {  	s7 =	smul.u32 @!p0 $0xF7A, s2;
	p2 =	seq.s32 @!p0 s5, $0x0  }
0x1f: {  	s9 =	smul.u32 $0xF7A, s1;
	s8 =	simm.s32 @!p0 $0x1BF5;
	p2 =	por !p2, p0  }
0x20: {  	[sflag:s8] =	ssyncset.s32 @!p0 $0xFFFFF086;
	s6 =	sadd.s32 @!p0 s3, s7;
	s7 =	simm.s32 @!p0 $0x108  }
0x21: {  	s3 =	sadd.s32 s3, s9;
	s6 =	sadd.s32 @!p0 $0x88, s6;
	s7 =	simm.s32 @p2 $0x1082  }
0x22: {  	[simem:s7], [sflag:s8] =	dma.local @!p0 [hbm:s6], $0xF7A  }
0x23: {  	s9 =	sor.u32 $0xD0000000, s2;
	s6 =	simm.s32 $0x108;
	_ =	swait.ge @!p0 [sflag:s8], $0x0  }
0x24: {  	s3 =	sadd.s32 $0x88, s3;
	s6 =	simm.s32 @!p1 $0x1082;
	[sflag:s4] =	ssyncset.s32 $0xFFFFF086  }
0x25: {  	[simem:s6], [sflag:s4] =	dma.local [hbm:s3], $0xF7A  }
0x26: {  	[smem:$0x3F9F] =	sst s1;
	(tag) =	ssettag s2;
	_ =	strace s9  }
0x27: {  	s1 =	sld [smem:$0x3FAF]  }
0x28: {  	s2 =	sld [smem:$0x3FB0]  }
0x29: {  	s4 =	sld [smem:$0x3FB2]  }
0x2a: {  	p0 =	seq.s32 s5, $0x0;
	s5 =	sld [smem:$0x3FB3]  }
0x2b: {  	s6 =	sld [smem:$0x3FB4]  }
0x2c: {  	s7 =	sld [smem:$0x3FB5]  }
0x2d: {  	s3 =	simm.s32 $0x108;
	s8 =	sld [smem:$0x3FB6]  }
0x2e: {  	s3 =	simm.s32 @!p0 $0x1082;
	s9 =	sld [smem:$0x3FB7]  }
0x2f: {  	lr =	sadd.s32 s0, s3;
	s0 =	sld [smem:$0x3FAE]  }
0x30: {  	s3 =	sld [smem:$0x3FB1]  }
0x31: {  	[smem:$0x3FBA] =	sst s10  }
0x32: {  	s10 =	sld [smem:$0x3FB8];
	_ =	sdelay $0x3  }
0x33: {  	p0 =	seq.s32 s10, $0x1;
	s10 =	sld [smem:$0x3FBA];
	_ =	sdelay $0x3  }
0x34: {  	[smem:$0x3FBA] =	sst s10  }
0x35: {  	s10 =	sld [smem:$0x3FB9];
	_ =	sdelay $0x3  }
0x36: {  	p1 =	seq.s32 s10, $0x1;
	s10 =	sld [smem:$0x3FBA];
	_ =	sdelay $0x3  }
0x37: {  	[smem:$0x3FBA] =	sst s10  }
0x38: {  	s10 =	sld [smem:$0x3FBB]  }
0x39: {  	_ = 	snop;
	(pc) =	sbr.ind lr, $3  }
0x3a: {  	_ = 	snop  }
0x3b: {  	_ = 	snop  }
0x3c: {  	p2 =	seq.s32 s10, $0x1;
	s10 =	sld [smem:$0x3FBA]  }
0x3d: {  	_ =	shalt  }
0x3e: {  	_ =	shalt  }
0x3f: {  	_ =	shalt  }
0x40: {  	_ =	shalt  }
0x41: {  	_ =	shalt  }
0x42: {  	_ =	shalt  }
0x43: {  	_ =	shalt  }
0x44: {  	_ =	shalt  }
0x45: {  	_ =	shalt  }
0x46: {  	_ =	shalt  }
0x47: {  	_ =	shalt  }
0x48: {  	_ =	shalt  }
0x49: {  	_ =	shalt  }
0x4a: {  	_ =	shalt  }
0x4b: {  	_ =	shalt  }
0x4c: {  	_ =	shalt  }
0x4d: {  	_ =	shalt  }
0x4e: {  	_ =	shalt  }
0x4f: {  	_ =	shalt  }
0x50: {  	_ =	shalt  }
0x51: {  	_ =	shalt  }
0x52: {  	_ =	shalt  }
0x53: {  	_ =	shalt  }
0x54: {  	_ =	shalt  }
0x55: {  	_ =	shalt  }
0x56: {  	_ =	shalt  }
0x57: {  	_ =	shalt  }
0x58: {  	_ =	shalt  }
0x59: {  	_ =	shalt  }
0x5a: {  	_ =	shalt  }
0x5b: {  	_ =	shalt  }
0x5c: {  	_ =	shalt  }
0x5d: {  	_ =	shalt  }
0x5e: {  	_ =	shalt  }
0x5f: {  	_ =	shalt  }
0x60: {  	_ =	shalt  }
0x61: {  	_ =	shalt  }
0x62: {  	_ =	shalt  }
0x63: {  	_ =	shalt  }
0x64: {  	_ =	shalt  }
0x65: {  	_ =	shalt  }
0x66: {  	_ =	shalt  }
0x67: {  	_ =	shalt  }
0x68: {  	_ =	shalt  }
0x69: {  	_ =	shalt  }
0x6a: {  	_ =	shalt  }
0x6b: {  	_ =	shalt  }
0x6c: {  	_ =	shalt  }
0x6d: {  	_ =	shalt  }
0x6e: {  	_ =	shalt  }
0x6f: {  	_ =	shalt  }
0x70: {  	_ =	shalt  }
0x71: {  	_ =	shalt  }
0x72: {  	_ =	shalt  }
0x73: {  	_ =	shalt  }
0x74: {  	_ =	shalt  }
0x75: {  	_ =	shalt  }
0x76: {  	_ =	shalt  }
0x77: {  	_ =	shalt  }
0x78: {  	_ =	shalt  }
0x79: {  	_ =	shalt  }
0x7a: {  	_ =	shalt  }
0x7b: {  	_ =	shalt  }
0x7c: {  	_ =	shalt  }
0x7d: {  	_ =	shalt  }
0x7e: {  	_ =	shalt  }
0x7f: {  	_ =	shalt  }
0x80: {  	_ =	shalt  }
0x81: {  	_ =	shalt  }
0x82: {  	_ =	shalt  }
0x83: {  	_ =	shalt  }
0x84: {  	_ =	shalt  }
0x85: {  	_ =	shalt  }
0x86: {  	_ =	shalt  }
0x87: {  	_ =	shalt  }
.Lfunc_end0:
.L_simem_size_0:
called_computation_lowered:
.L_overlay_start_0:
0x88: {  	s2 =	sld [smem:$0x3FD9]  }
0x89: {  	s3 =	sld [smem:$0x3FFE];
	_ =	sdelay $0x1  }
0x8a: {  	s1 =	srdreg.scid  }
0x8b: {  	s0 =	sand.u32 $0x1, s1  }
0x8c: {  	s18 =	sshll.u32 s0, $0xA;
	s2 =	sadd.s32 s3, s2  }
0x8d: {  	s2 =	sadd.s32 s2, s18  }
0x8e: {  	[smem:$0x3FC6] =	sst s2  }
0x8f: {  	_ = 	snop  }
0x90: {  	s2 =	sld [smem:$0x3FC9]  }
0x91: {  	s19 =	sld [smem:$0x3FC8]  }
0x92: {  	s4 =	sld [smem:$0x3FD0];
	(tm) =	ssettm $0x1  }
0x93: {  	s5 =	sld [smem:$0x3FFB];
	_ =	sdelay $0x3  }
0x94: {  	_ =	strace s5  }
0x95: {  	s5 =	sld [smem:$0x3FFC];
	_ =	sdelay $0x3  }
0x96: {  	_ =	strace s5  }
0x97: {  	s5 =	sld [smem:$0x3FFD];
	_ =	sdelay $0x3  }
0x98: {  	_ =	strace s5  }
0x99: {  	_ =	strace $0x8FFFFFFF  }
0x9a: {  	s20 =	sld [smem:$0x3FDB];
	_ =	sdelay $0x1  }
0x9b: {  	s6 =	simm.s32 $_scs_section_size  }
0x9c: {  	s7 =	simm.s32 $_size__tile_overlayer_lowered;
	s8 =	simm.s32 $_tile_overlayer_lowered  }
0x9d: {  	s23 =	simm.s32 $0x1BFF;
	s22 =	sshll.u32 s8, $0x1;
	s5 =	sadd.s32 s6, s20  }
0x9e: {  	s9 =	simm.s32 $0x0;
	s21 =	sshll.u32 s7, $0x1;
	s7 =	sadd.s32 s22, s5  }
0x9f: {  	[timem:s9], [sflag:s23] =	dma.local [hbm:s7], s21  }
0xa0: {  	_ =	swait.ge [sflag:s23], s21  }
0xa1: {  	s6 =	ssub.s32 $0x0, s21;
	[sflag:s23] =	ssyncset.done $0x0  }
0xa2: {  	[sflag:s23] =	ssyncadd.s32 s6;
	_ =	sdelay $0x1  }
0xa3: {  	s24 =	simm.s32 $0x1B8B  }
0xa4: {  	_ =	swait.ge [sflag:s24], $0x1  }
0xa5: {  	[sflag:s24] =	ssyncset.done $0x0  }
0xa6: {  	s25 =	simm.s32 $0x1B8E;
	[sflag:s24] =	ssyncadd.s32 $0xFFFFFFFF  }
0xa7: {  	s26 =	simm.s32 $execute0_lowered;
	[smem:$0x3FD2] =	sst s25  }
0xa8: {  	s6 =	sshll.u32 s26, $0x1;
	_ =	strace $0x80000046;
	[dreg:$0x1] =	wrdreg $0xFFFFFFFF  }
0xa9: {  	s28 =	simm.s32 $_size_execute0_lowered;
	s5 =	sadd.s32 s5, s6;
	[dreg:$0x0] =	wrdreg $0x0  }
0xaa: {  	s6 =	sshll.u32 s28, $0x1;
	[dreg:$0x2] =	wrdreg s5  }
0xab: {  	[dreg:$0x3] =	wrdreg s6  }
0xac: {  	[dreg:$0x4] =	wrdreg $0xC0  }
0xad: {  	_ =	task [dreg:s9], $0x5FFFF  }
0xae: {  	[dreg:$0x1] =	wrdreg $0xFFFFFFFF  }
0xaf: {  	[dreg:$0x0] =	wrdreg $0x60  }
0xb0: {  	[dreg:$0x2] =	wrdreg s2  }
0xb1: {  	[dreg:$0x3] =	wrdreg s19  }
0xb2: {  	[dreg:$0x4] =	wrdreg s4  }
0xb3: {  	[dreg:$0x5] =	wrdreg $0x82000  }
0xb4: {  	[dreg:$0x6] =	wrdreg $0x9  }
0xb5: {  	_ =	task.clear_ibuf [dreg:s9], $0x7FFFF;
	_ =	strace $0x90000046  }
0xb6: {  	s29 =	simm.s32 $0x9;
	_ =	strace $0x80000048  }
0xb7: {  	_ =	swait.ge [sflag:s29], $0x1  }
0xb8: {  	[sflag:s29] =	ssyncadd.s32 $0xFFFFFFFF  }
0xb9: {  	_ =	strace $0x90000048  }
0xba: {  	_ =	sfence  }
0xbb: {  	s30 =	sld [smem:$0x0];
	_ =	sdelay $0x2  }
0xbc: {  	s31 =	sshll.u32 s1, $0xD;
	s1 =	sshrl.u32 s1, $0x2  }
0xbd: {  	s3 =	sand.u32 $0x4000, s31;
	s1 =	sadd.s32 s1, s30  }
0xbe: {  	s0 =	sor.u32 s3, s0;
	s1 =	sshll.u32 s1, $0x11  }
0xbf: {  	s0 =	sor.u32 s1, s0  }
0xc0: {  	s0 =	sadd.s32 $0x8F2B, s0  }
0xc1: {  	[sflag:s0] =	ssyncadd.remote.s32 $0x1  }
0xc2: {  	_ =	sfence.sel $0xFFFF  }
0xc3: {  	[dreg:$0x0] =	wrdreg $0xFFFFFFFF;
	(pc) =	sbr.abs _section_cstart, $3  }
0xc4: {  	[dreg:$0x1] =	wrdreg $0xFFFFFFFF  }
0xc5: {  	_ =	task.clear_ibuf [dreg:s9], $0x2FFFF;
	_ =	strace $0x9FFFFFFF  }
0xc6: {  	(tm) =	ssettm $0x7FFFFFFF  }
0xc7: {  	_ =	shalt  }
tec
execute0_lowered:
.L_overlay_start_1:
0x0: {  	(tag) =	ssettag $0x1  }
0x1: {  	s4 =	rddreg [dreg:$0x0]  }
0x2: {  	s5 =	rddreg [dreg:$0x1]  }
0x3: {  	s6 =	rddreg [dreg:$0x2]  }
0x4: {  	s2 =	rddreg [dreg:$0x3]  }
0x5: {  	s0 =	srdreg.scid;
	s3 =	simm.s32 $0x0;
	s1 =	stileid.u32  }
0x6: {  	s0 =	sand.u32 $0x1, s0;
	[smem:$0x7FF] =	sst s3;
	s7 =	sshll.u32 s1, $0xA  }
0x7: {  	p0 =	seq.s32 s1, $0xF;
	s26 =	sshll.u32 s1, $0xD;
	s8 =	sshll.u32 s0, $0x9  }
0x8: {  	_ =	strace $0x80000047;
	s8 =	sor.u32 s8, s7;
	s7 =	sadd.s32 s5, s7  }
0x9: {  	s5 =	sadd.s32 $0x3C00, s5;
	[dreg:$0x5] =	wrdreg s7;
	s24 =	sshrl.u32 s8, $0x3  }
0xa: {  	[dreg:$0x6] =	wrdreg s5;
	s25 =	sshll.u32 s8, $0x4;
	s4 =	sadd.s32 s4, s24  }
0xb: {  	s7 =	simm.s32 @p0 $0x3;
	[dreg:$0x7] =	wrdreg s4;
	s4 =	sadd.s32 s6, s25  }
0xc: {  	s8 =	rddreg [dreg:$0x6];
	s6 =	sadd.s32 $0x1E000, s2;
	s5 =	sadd.s32 $0x400, s4  }
0xd: {  	[dreg:$0x8] =	wrdreg s5;
	s5 =	sshrl.u32 @p0 s6, $0x3;
	s6 =	simm.s32 @p0 $0x1FC3  }
0xe: {  	[spmem:s5], [sflag:s6] =	dma.local @p0 [hbm:s8], $0x280  }
0xf: {  	s9 =	sshll.u32 @!p0 s1, $0x6;
	s10 =	sadd.s32 s26, s2;
	_ =	swait.ge @p0 [sflag:s7], $0x280  }
0x10: {  	s8 =	sor.u32 @!p0 $0x1C03, s9;
	s9 =	sshrl.u32 @!p0 s10, $0x3;
	[sflag:s7] =	ssyncset.done @p0 $0x0  }
0x11: {  	s10 =	simm.s32 @!p0 $0x3;
	s11 =	rddreg [dreg:$0x5];
	[sflag:s7] =	ssyncadd.s32 @p0 $0xFFFFFD80  }
0x12: {  	[spmem:s9], [sflag:s8] =	dma.local @!p0 [hbm:s11], $0x400  }
0x13: {  	_ =	swait.ge @!p0 [sflag:s10], $0x400  }
0x14: {  	[sflag:s10] =	ssyncset.done @!p0 $0x0  }
0x15: {  	s11 =	simm.s32 $0x3;
	s12 =	rddreg [dreg:$0x7];
	[sflag:s10] =	ssyncadd.s32 @!p0 $0xFFFFFC00  }
0x16: {  	[tilespmem:s3], [sflag:$0x3] =	stream.linear.gather [hbm4b:s12+s3], $0x200, $0x38;
	[tilespmem:$0xA140] =	vst v63  }
0x17: {  	_ =	swait.ge [sflag:s11], $0x200  }
0x18: {  	[sflag:s11] =	ssyncset.done $0x0  }
0x19: {  	s13 =	simm.s32 $0x200;
	[sflag:s11] =	ssyncadd.s32 $0xFFFFFE00  }
0x1a: {  	s14 =	simm.s32 $0x1;
	s12 =	simm.s32 $0x40;
	[bflag:$0x0] =	sbarrier.arrive $0xFFFF  }
0x1b: {  	[tilespmem:s13], [sflag:$0x1] =	stream.indirect.gather [spmem:s2], $0x80, s3, s12, $0xb8;
	[tilespmem:$0xA140] =	vst v63  }
0x1c: {  	_ =	swait.ge [sflag:s14], $0x2000  }
0x1d: {  	[sflag:s14] =	ssyncset.done $0x0  }
0x1e: {  	[sflag:s14] =	ssyncadd.s32 $0xFFFFE000  }
0x1f: {  	[hbm4b:s4+s3] =	stream.linear.scatter [tilespmem:s13], [sflag:$0x2], $0x2000, $0x38;
	[tilespmem:$0xA140] =	vst v63  }
0x20: {  	s15 =	simm.s32 $0x2200  }
0x21: {  	[tilespmem:s15], [sflag:$0x1] =	stream.indirect.gather [spmem:s2], $0x80, s12, s12, $0xb8;
	[tilespmem:$0xA140] =	vst v63  }
0x22: {  	_ =	swait.ge [sflag:s14], $0x2000  }
0x23: {  	[sflag:s14] =	ssyncset.done $0x0  }
0x24: {  	s16 =	rddreg [dreg:$0x8];
	[sflag:s14] =	ssyncadd.s32 $0xFFFFE000  }
0x25: {  	[hbm4b:s16+s3] =	stream.linear.scatter [tilespmem:s15], [sflag:$0x2], $0x2000, $0x38;
	[tilespmem:$0xA140] =	vst v63  }
0x26: {  	s17 =	simm.s32 $0x4200;
	s16 =	simm.s32 $0x80  }
0x27: {  	[tilespmem:s17], [sflag:$0x1] =	stream.indirect.gather [spmem:s2], $0x80, s16, s12, $0xb8;
	[tilespmem:$0xA140] =	vst v63  }
0x28: {  	_ =	swait.ge [sflag:s14], $0x2000  }
0x29: {  	[sflag:s14] =	ssyncset.done $0x0  }
0x2a: {  	s18 =	sadd.s32 $0x800, s4;
	[sflag:s14] =	ssyncadd.s32 $0xFFFFE000  }
0x2b: {  	[hbm4b:s18+s3] =	stream.linear.scatter [tilespmem:s17], [sflag:$0x2], $0x2000, $0x38;
	[tilespmem:$0xA140] =	vst v63  }
0x2c: {  	s19 =	simm.s32 $0xC0;
	s20 =	simm.s32 $0x6200  }
0x2d: {  	[tilespmem:s20], [sflag:$0x1] =	stream.indirect.gather [spmem:s2], $0x80, s19, s12, $0xb8;
	[tilespmem:$0xA140] =	vst v63  }
0x2e: {  	_ =	swait.ge [sflag:s14], $0x2000  }
0x2f: {  	[sflag:s14] =	ssyncset.done $0x0  }
0x30: {  	s21 =	simm.s32 $0x2;
	s22 =	sadd.s32 $0xC00, s4;
	[sflag:s14] =	ssyncadd.s32 $0xFFFFE000  }
0x31: {  	[hbm4b:s22+s3] =	stream.linear.scatter [tilespmem:s20], [sflag:$0x2], $0x2000, $0x38;
	[tilespmem:$0xA140] =	vst v63  }
0x32: {  	_ =	swait.ge [sflag:s21], $0x2000  }
0x33: {  	[sflag:s21] =	ssyncset.done $0x0  }
0x34: {  	s23 =	simm.s32 $0x100;
	[sflag:s21] =	ssyncadd.s32 $0xFFFFE000  }
0x35: {  	[tilespmem:s13], [sflag:$0x1] =	stream.indirect.gather [spmem:s2], $0x80, s23, s12, $0xb8;
	[tilespmem:$0xA140] =	vst v63  }
0x36: {  	_ =	swait.ge [sflag:s14], $0x2000  }
0x37: {  	[sflag:s14] =	ssyncset.done $0x0  }
0x38: {  	s24 =	sadd.s32 $0x1000, s4;
	[sflag:s14] =	ssyncadd.s32 $0xFFFFE000  }
0x39: {  	[hbm4b:s24+s3] =	stream.linear.scatter [tilespmem:s13], [sflag:$0x2], $0x2000, $0x38;
	[tilespmem:$0xA140] =	vst v63  }
0x3a: {  	_ =	swait.ge [sflag:s21], $0x2000  }
0x3b: {  	[sflag:s21] =	ssyncset.done $0x0  }
0x3c: {  	s25 =	simm.s32 $0x140;
	[sflag:s21] =	ssyncadd.s32 $0xFFFFE000  }
0x3d: {  	[tilespmem:s15], [sflag:$0x1] =	stream.indirect.gather [spmem:s2], $0x80, s25, s12, $0xb8;
	[tilespmem:$0xA140] =	vst v63  }
0x3e: {  	_ =	swait.ge [sflag:s14], $0x2000  }
0x3f: {  	[sflag:s14] =	ssyncset.done $0x0  }
0x40: {  	s26 =	sadd.s32 $0x1400, s4;
	[sflag:s14] =	ssyncadd.s32 $0xFFFFE000  }
0x41: {  	[hbm4b:s26+s3] =	stream.linear.scatter [tilespmem:s15], [sflag:$0x2], $0x2000, $0x38;
	[tilespmem:$0xA140] =	vst v63  }
0x42: {  	_ =	swait.ge [sflag:s21], $0x2000  }
0x43: {  	[sflag:s21] =	ssyncset.done $0x0  }
0x44: {  	s28 =	simm.s32 $0x180;
	[sflag:s21] =	ssyncadd.s32 $0xFFFFE000  }
0x45: {  	[tilespmem:s17], [sflag:$0x1] =	stream.indirect.gather [spmem:s2], $0x80, s28, s12, $0xb8;
	[tilespmem:$0xA140] =	vst v63  }
0x46: {  	_ =	swait.ge [sflag:s14], $0x2000  }
0x47: {  	[sflag:s14] =	ssyncset.done $0x0  }
0x48: {  	s29 =	sadd.s32 $0x1800, s4;
	[sflag:s14] =	ssyncadd.s32 $0xFFFFE000  }
0x49: {  	[hbm4b:s29+s3] =	stream.linear.scatter [tilespmem:s17], [sflag:$0x2], $0x2000, $0x38;
	[tilespmem:$0xA140] =	vst v63  }
0x4a: {  	_ =	swait.ge [sflag:s21], $0x2000  }
0x4b: {  	[sflag:s21] =	ssyncset.done $0x0  }
0x4c: {  	s30 =	simm.s32 $0x1C0;
	[sflag:s21] =	ssyncadd.s32 $0xFFFFE000  }
0x4d: {  	[tilespmem:s20], [sflag:$0x1] =	stream.indirect.gather [spmem:s2], $0x80, s30, s12, $0xb8;
	[tilespmem:$0xA140] =	vst v63  }
0x4e: {  	_ =	swait.ge [sflag:s14], $0x2000  }
0x4f: {  	[sflag:s14] =	ssyncset.done $0x0  }
0x50: {  	s0 =	ssub.s32 $0x2, s0;
	s31 =	sadd.s32 $0x1C00, s4;
	[sflag:s14] =	ssyncadd.s32 $0xFFFFE000  }
0x51: {  	[hbm4b:s31+s3] =	stream.linear.scatter [tilespmem:s20], [sflag:$0x2], $0x2000, $0x38;
	[tilespmem:$0xA140] =	vst v63  }
0x52: {  	s1 =	sshrl.u32 s0, $0x1;
	_ =	swait.ge [sflag:s21], $0x2000  }
0x53: {  	s0 =	ssub.s32 s0, s1;
	[sflag:s21] =	ssyncset.done $0x0  }
0x54: {  	s0 =	smax.u32 s0, $0x1;
	[sflag:s21] =	ssyncadd.s32 $0xFFFFE000  }
0x55: {  	s0 =	sadd.s32 $0xFFFFFFFF, s0;
	_ =	swait.ge [sflag:s21], $0x2000  }
0x56: {  	p1 =	sne.s32 s0, $0x0;
	[sflag:s21] =	ssyncset.done $0x0  }
.Ltmp0:
0x57: {  	[sflag:s21] =	ssyncadd.s32 $0xFFFFE000;
	(pc) =	sbr.rel @!p1 .LBB2_2-.Ltmp0, $4  }
0x58: {  	_ =	swait.ge [sflag:s21], $0x2000  }
0x59: {  	[sflag:s21] =	ssyncset.done $0x0  }
0x5a: {  	[sflag:s21] =	ssyncadd.s32 $0xFFFFE000  }
0x5b: {  	_ =	swait.ge [sflag:s21], $0x2000  }
.LBB2_1:
0x5c: {  	[sflag:s21] =	ssyncset.done $0x0  }
0x5d: {  	s1 =	rddreg [dreg:$0x6];
	[sflag:s21] =	ssyncadd.s32 $0xFFFFE000  }
0x5e: {  	[spmem:s5], [sflag:s6] =	dma.local @p0 [hbm:s1], $0x280  }
0x5f: {  	_ =	swait.ge @p0 [sflag:s7], $0x280  }
0x60: {  	[sflag:s7] =	ssyncset.done @p0 $0x0  }
0x61: {  	s1 =	rddreg [dreg:$0x5];
	[sflag:s7] =	ssyncadd.s32 @p0 $0xFFFFFD80  }
0x62: {  	[spmem:s9], [sflag:s8] =	dma.local @!p0 [hbm:s1], $0x400  }
0x63: {  	_ =	swait.ge @!p0 [sflag:s10], $0x400  }
0x64: {  	[sflag:s10] =	ssyncset.done @!p0 $0x0  }
0x65: {  	s1 =	rddreg [dreg:$0x7];
	[sflag:s10] =	ssyncadd.s32 @!p0 $0xFFFFFC00  }
0x66: {  	[tilespmem:s3], [sflag:$0x3] =	stream.linear.gather [hbm4b:s1+s3], $0x200, $0x38;
	[tilespmem:$0xA140] =	vst v63  }
0x67: {  	_ =	swait.ge [sflag:s11], $0x200  }
0x68: {  	[sflag:s11] =	ssyncset.done $0x0  }
0x69: {  	[sflag:s11] =	ssyncadd.s32 $0xFFFFFE00  }
0x6a: {  	[bflag:$0x0] =	sbarrier.arrive $0xFFFF  }
0x6b: {  	[tilespmem:s13], [sflag:$0x1] =	stream.indirect.gather [spmem:s2], $0x80, s3, s12, $0xb8;
	[tilespmem:$0xA140] =	vst v63  }
0x6c: {  	_ =	swait.ge [sflag:s14], $0x2000  }
0x6d: {  	[sflag:s14] =	ssyncset.done $0x0  }
0x6e: {  	[sflag:s14] =	ssyncadd.s32 $0xFFFFE000  }
0x6f: {  	[hbm4b:s4+s3] =	stream.linear.scatter [tilespmem:s13], [sflag:$0x2], $0x2000, $0x38;
	[tilespmem:$0xA140] =	vst v63  }
0x70: {  	_ = 	snop  }
0x71: {  	[tilespmem:s15], [sflag:$0x1] =	stream.indirect.gather [spmem:s2], $0x80, s12, s12, $0xb8;
	[tilespmem:$0xA140] =	vst v63  }
0x72: {  	_ =	swait.ge [sflag:s14], $0x2000  }
0x73: {  	[sflag:s14] =	ssyncset.done $0x0  }
0x74: {  	s1 =	rddreg [dreg:$0x8];
	[sflag:s14] =	ssyncadd.s32 $0xFFFFE000  }
0x75: {  	[hbm4b:s1+s3] =	stream.linear.scatter [tilespmem:s15], [sflag:$0x2], $0x2000, $0x38;
	[tilespmem:$0xA140] =	vst v63  }
0x76: {  	_ = 	snop  }
0x77: {  	[tilespmem:s17], [sflag:$0x1] =	stream.indirect.gather [spmem:s2], $0x80, s16, s12, $0xb8;
	[tilespmem:$0xA140] =	vst v63  }
0x78: {  	_ =	swait.ge [sflag:s14], $0x2000  }
0x79: {  	[sflag:s14] =	ssyncset.done $0x0  }
0x7a: {  	[sflag:s14] =	ssyncadd.s32 $0xFFFFE000  }
0x7b: {  	[hbm4b:s18+s3] =	stream.linear.scatter [tilespmem:s17], [sflag:$0x2], $0x2000, $0x38;
	[tilespmem:$0xA140] =	vst v63  }
0x7c: {  	_ = 	snop  }
0x7d: {  	[tilespmem:s20], [sflag:$0x1] =	stream.indirect.gather [spmem:s2], $0x80, s19, s12, $0xb8;
	[tilespmem:$0xA140] =	vst v63  }
0x7e: {  	_ =	swait.ge [sflag:s14], $0x2000  }
0x7f: {  	[sflag:s14] =	ssyncset.done $0x0  }
0x80: {  	[sflag:s14] =	ssyncadd.s32 $0xFFFFE000  }
0x81: {  	[hbm4b:s22+s3] =	stream.linear.scatter [tilespmem:s20], [sflag:$0x2], $0x2000, $0x38;
	[tilespmem:$0xA140] =	vst v63  }
0x82: {  	_ =	swait.ge [sflag:s21], $0x2000  }
0x83: {  	[sflag:s21] =	ssyncset.done $0x0  }
0x84: {  	[sflag:s21] =	ssyncadd.s32 $0xFFFFE000  }
0x85: {  	[tilespmem:s13], [sflag:$0x1] =	stream.indirect.gather [spmem:s2], $0x80, s23, s12, $0xb8;
	[tilespmem:$0xA140] =	vst v63  }
0x86: {  	_ =	swait.ge [sflag:s14], $0x2000  }
0x87: {  	[sflag:s14] =	ssyncset.done $0x0  }
0x88: {  	[sflag:s14] =	ssyncadd.s32 $0xFFFFE000  }
0x89: {  	[hbm4b:s24+s3] =	stream.linear.scatter [tilespmem:s13], [sflag:$0x2], $0x2000, $0x38;
	[tilespmem:$0xA140] =	vst v63  }
0x8a: {  	_ =	swait.ge [sflag:s21], $0x2000  }
0x8b: {  	[sflag:s21] =	ssyncset.done $0x0  }
0x8c: {  	[sflag:s21] =	ssyncadd.s32 $0xFFFFE000  }
0x8d: {  	[tilespmem:s15], [sflag:$0x1] =	stream.indirect.gather [spmem:s2], $0x80, s25, s12, $0xb8;
	[tilespmem:$0xA140] =	vst v63  }
0x8e: {  	_ =	swait.ge [sflag:s14], $0x2000  }
0x8f: {  	[sflag:s14] =	ssyncset.done $0x0  }
0x90: {  	[sflag:s14] =	ssyncadd.s32 $0xFFFFE000  }
0x91: {  	[hbm4b:s26+s3] =	stream.linear.scatter [tilespmem:s15], [sflag:$0x2], $0x2000, $0x38;
	[tilespmem:$0xA140] =	vst v63  }
0x92: {  	_ =	swait.ge [sflag:s21], $0x2000  }
0x93: {  	[sflag:s21] =	ssyncset.done $0x0  }
0x94: {  	[sflag:s21] =	ssyncadd.s32 $0xFFFFE000  }
0x95: {  	[tilespmem:s17], [sflag:$0x1] =	stream.indirect.gather [spmem:s2], $0x80, s28, s12, $0xb8;
	[tilespmem:$0xA140] =	vst v63  }
0x96: {  	_ =	swait.ge [sflag:s14], $0x2000  }
0x97: {  	[sflag:s14] =	ssyncset.done $0x0  }
0x98: {  	[sflag:s14] =	ssyncadd.s32 $0xFFFFE000  }
0x99: {  	[hbm4b:s29+s3] =	stream.linear.scatter [tilespmem:s17], [sflag:$0x2], $0x2000, $0x38;
	[tilespmem:$0xA140] =	vst v63  }
0x9a: {  	_ =	swait.ge [sflag:s21], $0x2000  }
0x9b: {  	[sflag:s21] =	ssyncset.done $0x0  }
0x9c: {  	[sflag:s21] =	ssyncadd.s32 $0xFFFFE000  }
0x9d: {  	[tilespmem:s20], [sflag:$0x1] =	stream.indirect.gather [spmem:s2], $0x80, s30, s12, $0xb8;
	[tilespmem:$0xA140] =	vst v63  }
0x9e: {  	_ =	swait.ge [sflag:s14], $0x2000  }
0x9f: {  	[sflag:s14] =	ssyncset.done $0x0  }
0xa0: {  	[sflag:s14] =	ssyncadd.s32 $0xFFFFE000  }
0xa1: {  	[hbm4b:s31+s3] =	stream.linear.scatter [tilespmem:s20], [sflag:$0x2], $0x2000, $0x38;
	[tilespmem:$0xA140] =	vst v63  }
0xa2: {  	_ =	swait.ge [sflag:s21], $0x2000  }
0xa3: {  	[sflag:s21] =	ssyncset.done $0x0  }
0xa4: {  	[sflag:s21] =	ssyncadd.s32 $0xFFFFE000  }
0xa5: {  	s0 =	sadd.s32 $0xFFFFFFFF, s0;
	_ =	swait.ge [sflag:s21], $0x2000  }
0xa6: {  	p1 =	sne.s32 s0, $0x0;
	[sflag:s21] =	ssyncset.done $0x0  }
.Ltmp1:
0xa7: {  	[sflag:s21] =	ssyncadd.s32 $0xFFFFE000;
	(pc) =	sbr.rel @p1 .LBB2_1-.Ltmp1, $4  }
0xa8: {  	_ =	swait.ge [sflag:s21], $0x2000  }
0xa9: {  	[sflag:s21] =	ssyncset.done $0x0  }
0xaa: {  	[sflag:s21] =	ssyncadd.s32 $0xFFFFE000  }
0xab: {  	_ =	swait.ge [sflag:s21], $0x2000  }
.LBB2_2:
0xac: {  	[sflag:s21] =	ssyncset.done $0x0  }
0xad: {  	[sflag:s21] =	ssyncadd.s32 $0xFFFFE000  }
0xae: {  	_ =	sfence.sel $0x180000  }
0xaf: {  	[bflag:$0x0] =	sbarrier.arrive $0xFFFF  }
0xb0: {  	_ =	strace $0x90000047  }
0xb1: {  	s0 =	stileid.u32;
	[bflag:$0x2] =	sbarrier.arrive $0xFFFF  }
0xb2: {  	p0 =	sne.s32 s0, $0x0;
	s0 =	rddreg [dreg:$0x4]  }
0xb3: {  	s0 =	sadd.s32 @!p0 $0x100000, s0  }
0xb4: {  	[sflag:s0] =	ssyncadd.tile.s32 @!p0 $0x1;
	_ =	shalt  }
.Lfunc_end2:
_tile_overlayer_lowered:
.L_overlay_start_2:
0xb5: {  	(tag) =	ssettag $0x2  }
0xb6: {  	s0 =	rddreg [dreg:$0x0];
	s2 =	stileid.u32  }
0xb7: {  	s1 =	rddreg [dreg:$0x1];
	p0 =	sne.s32 s2, $0x0  }
0xb8: {  	s3 =	rddreg [dreg:$0x2];
	[bflag:$0x3] =	sbarrier.arrive $0xFFFF;
	s2 =	simm.s32 @!p0 $0x1C03  }
0xb9: {  	[timem:s3], [sflag:s2] =	dma.local @!p0 [hbm:s0], s1  }
0xba: {  	s0 =	simm.s32 @!p0 $0x3  }
0xbb: {  	_ =	swait.ge @!p0 [sflag:s0], s1  }
0xbc: {  	s1 =	ssub.s32 @!p0 $0x0, s1;
	[sflag:s0] =	ssyncset.done @!p0 $0x0  }
0xbd: {  	[sflag:s0] =	ssyncadd.s32 @!p0 s1  }
0xbe: {  	[bflag:$0x3] =	sbarrier.arrive $0xFFFF  }
0xbf: {  	_ =	shalt  }

</sc_bundles>
